<compile_context>
chip_gen: v7x
topology: tpu7x:2x2x1
jax: 0.10.2.dev20260603
libtpu: 0.0.44.dev20260713+nightly
codegen_flags: <defaults>
</compile_context>

<pallas_src>
import math

import jax
import jax.numpy as jnp
from jax.experimental import pallas as pl
from jax.experimental.pallas import tpu as pltpu

_F = 26
_C = 1000
_D = 16
_K = _F * _C

_BM = 128


def _mm_body(z_ref, w_ref, o_ref):
    zb = jax.lax.bitcast_convert_type(z_ref[:], jnp.bfloat16)
    o_ref[:] = jnp.dot(zb, w_ref[:], preferred_element_type=jnp.float32)


def kernel(z, codebook):
    batch_shape = z.shape[:-1]
    m = math.prod(batch_shape)
    z2 = z.reshape(m, _K)
    bits = jax.lax.bitcast_convert_type(z2, jnp.int32)
    z_hi = jax.lax.shift_right_logical(bits, 16).astype(jnp.uint16)
    w = codebook.reshape(_K, _D).astype(jnp.bfloat16)

    out = pl.pallas_call(
        _mm_body,
        grid=(m // _BM,),
        in_specs=[
            pl.BlockSpec((_BM, _K), lambda i: (i, 0)),
            pl.BlockSpec((_K, _D), lambda i: (0, 0)),
        ],
        out_specs=pl.BlockSpec((_BM, _D), lambda i: (i, 0)),
        out_shape=jax.ShapeDtypeStruct((m, _D), jnp.float32),
        compiler_params=pltpu.CompilerParams(
            dimension_semantics=("parallel",),
        ),
    )(z_hi, w)
    return out.reshape(*batch_shape, _D)

# --- scband reference (transcript-rebuilt; emitter-appended) ---
"""Pipeline reference for scband-factorized-codebook-49778670961039 (READ-ONLY COPY).

The authoritative reference and input builder live on the scoring server;
editing this copy changes nothing except your own understanding.
"""

import jax, jax.numpy as jnp
import numpy as np

N_FACTORS = 26
N_CODES = 1000
EMBED_DIM = 16


def setup_inputs(seed: int = 0) -> dict:
    key = jax.random.key(seed)
    k1, k2 = jax.random.split(key)
    z = jax.random.normal(k1, (1024, N_FACTORS * N_CODES), dtype=jnp.float32)
    codebook = 0.02 * jax.random.normal(k2, (N_FACTORS, N_CODES, EMBED_DIM), dtype=jnp.float32)
    return {"z": z, "codebook": codebook}


def reference(z, codebook):
    batch_shape = z.shape[:-1]
    zr = z.reshape(*batch_shape, N_FACTORS, N_CODES)
    embeddings = jnp.einsum('...fc,fcd->...fd', zr, codebook)
    # agg == 'sum'
    return embeddings.sum(axis=-2)

if __name__ == "__main__":
    import jax
    _d = setup_inputs()
    print(jax.jit(kernel)(*tuple(_d.values())))

</pallas_src>

<mosaic_0001>
module attributes {stable_mosaic.version = 14 : i64} {
  func.func @_mm_body(%arg0: i32, %arg1: memref<128x26000xi16, #tpu.memory_space<vmem>>, %arg2: memref<26000x16xbf16, #tpu.memory_space<vmem>>, %arg3: memref<128x16xf32, #tpu.memory_space<vmem>>) attributes {dimension_semantics = [#tpu.dimension_semantics<parallel>], iteration_bounds = array<i64: 8>, scalar_prefetch = 0 : i64, scratch_operands = 0 : i64, tpu.core_type = #tpu.core_type<tc>, window_params = [{transform_indices = @transform_0, window_bounds = array<i64: 128, 26000>}, {pipeline_mode = #tpu.pipeline_mode<synchronous>, transform_indices = @transform_1, window_bounds = array<i64: 26000, 16>}, {transform_indices = @transform_2, window_bounds = array<i64: 128, 16>}]} {
    %get3A = arith.constant 0 : index
    %get3A_0 = arith.constant 0 : index
    %get3A_1 = vector.load %arg1[%get3A, %get3A_0] : memref<128x26000xi16, #tpu.memory_space<vmem>>, vector<128x26000xi16>
    %bitcast_convert_type3A = tpu.bitcast %get3A_1 : vector<128x26000xi16> -> vector<128x26000xbf16>
    %get3A_2 = arith.constant 0 : index
    %get3A_3 = arith.constant 0 : index
    %get3A_4 = vector.load %arg2[%get3A_2, %get3A_3] : memref<26000x16xbf16, #tpu.memory_space<vmem>>, vector<26000x16xbf16>
    %dot_general3A = arith.constant dense<0.000000e+00> : vector<128x16xf32>
    %dot_general3A_5 = tpu.matmul %bitcast_convert_type3A, %get3A_4, %dot_general3A {dimension_numbers = #tpu.dot_dimension_numbers<[1], [0], [0], [1], [0, 0, 1, 1], [], []>, transpose_lhs_hint = false} : vector<128x26000xbf16>, vector<26000x16xbf16>, vector<128x16xf32> -> vector<128x16xf32>
    %swap3A = arith.constant 0 : index
    %swap3A_6 = arith.constant 0 : index
    %swap3A_7 = vector.load %arg3[%swap3A, %swap3A_6] : memref<128x16xf32, #tpu.memory_space<vmem>>, vector<128x16xf32>
    tpu.vector_store %arg3[%swap3A, %swap3A_6], %dot_general3A_5 {strides = array<i32>} : memref<128x16xf32, #tpu.memory_space<vmem>>, vector<128x16xf32>,
    return
  }
  func.func @transform_0(%arg0: i32) -> (i32, i32) {
    %c0_i32 = arith.constant 0 : i32
    %c0_i32_0 = arith.constant 0 : i32
    return %arg0, %c0_i32 : i32, i32
  }
  func.func @transform_1(%arg0: i32) -> (i32, i32) {
    %c0_i32 = arith.constant 0 : i32
    %c0_i32_0 = arith.constant 0 : i32
    %c0_i32_1 = arith.constant 0 : i32
    return %c0_i32, %c0_i32_0 : i32, i32
  }
  func.func @transform_2(%arg0: i32) -> (i32, i32) {
    %c0_i32 = arith.constant 0 : i32
    %c0_i32_0 = arith.constant 0 : i32
    return %arg0, %c0_i32 : i32, i32
  }
}

</mosaic_0001>

<sc_bundles>
// kernel: sparse-core-data-format-call.cloned.1.call-start
scs
called_computation_lowered:
.L_overlay_start_0:
0x0: {  	s1 =	sld [smem:$0x3FD9]  }
0x1: {  	s2 =	sld [smem:$0x3FFE];
	_ =	sdelay $0x1  }
0x2: {  	s3 =	srdreg.scid  }
0x3: {  	s0 =	sand.u32 $0x1, s3  }
0x4: {  	s17 =	sshll.u32 s0, $0xA;
	s1 =	sadd.s32 s2, s1  }
0x5: {  	s1 =	sadd.s32 s1, s17  }
0x6: {  	[smem:$0x3FC6] =	sst s1  }
0x7: {  	_ = 	snop  }
0x8: {  	(tm) =	ssettm $0x1  }
0x9: {  	s18 =	sld [smem:$0x3FFB];
	_ =	sdelay $0x3  }
0xa: {  	_ =	strace s18  }
0xb: {  	s1 =	sld [smem:$0x3FFC];
	_ =	sdelay $0x3  }
0xc: {  	_ =	strace s1  }
0xd: {  	s1 =	sld [smem:$0x3FFD];
	_ =	sdelay $0x3  }
0xe: {  	_ =	strace s1  }
0xf: {  	_ =	strace $0x8FFFFFFF  }
0x10: {  	s19 =	sld [smem:$0x3FDB];
	_ =	sdelay $0x1  }
0x11: {  	s20 =	simm.s32 $_scs_section_size  }
0x12: {  	s4 =	simm.s32 $_size__tile_overlayer_lowered;
	s5 =	simm.s32 $_tile_overlayer_lowered  }
0x13: {  	s23 =	simm.s32 $0x1BFF;
	s22 =	sshll.u32 s5, $0x1;
	s1 =	sadd.s32 s20, s19  }
0x14: {  	s6 =	simm.s32 $0x0;
	s21 =	sshll.u32 s4, $0x1;
	s4 =	sadd.s32 s22, s1  }
0x15: {  	[timem:s6], [sflag:s23] =	dma.local [hbm:s4], s21  }
0x16: {  	_ =	swait.ge [sflag:s23], s21  }
0x17: {  	s2 =	ssub.s32 $0x0, s21;
	[sflag:s23] =	ssyncset.done $0x0  }
0x18: {  	[sflag:s23] =	ssyncadd.s32 s2;
	_ =	sdelay $0x1  }
0x19: {  	s24 =	simm.s32 $0x1B8B  }
0x1a: {  	_ =	swait.ge [sflag:s24], $0x1  }
0x1b: {  	[sflag:s24] =	ssyncset.done $0x0  }
0x1c: {  	s26 =	simm.s32 $0x1B8E;
	s25 =	sld [smem:$0x3FFE];
	[sflag:s24] =	ssyncadd.s32 $0xFFFFFFFF  }
0x1d: {  	s27 =	simm.s32 $execute0_lowered;
	[smem:$0x3FD2] =	sst s26  }
0x1e: {  	s4 =	sshll.u32 s27, $0x1;
	_ =	strace $0x80000046;
	[dreg:$0x1] =	wrdreg $0xFFFFFFFF  }
0x1f: {  	s28 =	simm.s32 $_size_execute0_lowered;
	s1 =	sadd.s32 s1, s4;
	[dreg:$0x0] =	wrdreg $0x0  }
0x20: {  	s4 =	sshll.u32 s28, $0x1;
	[dreg:$0x2] =	wrdreg s1  }
0x21: {  	[dreg:$0x3] =	wrdreg s4  }
0x22: {  	[dreg:$0x4] =	wrdreg $0xC0  }
0x23: {  	_ =	task [dreg:s6], $0x5FFFF  }
0x24: {  	[dreg:$0x1] =	wrdreg $0xFFFFFFFF  }
0x25: {  	[dreg:$0x0] =	wrdreg $0x60  }
0x26: {  	[dreg:$0x2] =	wrdreg s25  }
0x27: {  	[dreg:$0x3] =	wrdreg $0x9  }
0x28: {  	_ =	task.clear_ibuf [dreg:s6], $0x4FFFF;
	_ =	strace $0x90000046  }
0x29: {  	s29 =	simm.s32 $0x9;
	_ =	strace $0x80000048  }
0x2a: {  	_ =	swait.ge [sflag:s29], $0x1  }
0x2b: {  	[sflag:s29] =	ssyncadd.s32 $0xFFFFFFFF  }
0x2c: {  	_ =	strace $0x90000048  }
0x2d: {  	_ =	sfence  }
0x2e: {  	s30 =	sld [smem:$0x0];
	_ =	sdelay $0x2  }
0x2f: {  	s31 =	sshll.u32 s3, $0xD;
	s3 =	sshrl.u32 s3, $0x2  }
0x30: {  	s2 =	sand.u32 $0x4000, s31;
	s1 =	sadd.s32 s3, s30  }
0x31: {  	s0 =	sor.u32 s2, s0;
	s1 =	sshll.u32 s1, $0x11  }
0x32: {  	s0 =	sor.u32 s1, s0  }
0x33: {  	s0 =	sadd.s32 $0x8F2B, s0  }
0x34: {  	[sflag:s0] =	ssyncadd.remote.s32 $0x1  }
0x35: {  	_ =	sfence.sel $0xFFFF  }
0x36: {  	[dreg:$0x0] =	wrdreg $0xFFFFFFFF;
	(pc) =	sbr.abs _section_cstart, $3  }
0x37: {  	[dreg:$0x1] =	wrdreg $0xFFFFFFFF  }
0x38: {  	_ =	task.clear_ibuf [dreg:s6], $0x2FFFF;
	_ =	strace $0x9FFFFFFF  }
0x39: {  	(tm) =	ssettm $0x7FFFFFFF  }
tec
execute0_lowered:
.L_overlay_start_1:
0x0: {  	(tag) =	ssettag $0x1  }
0x1: {  	s0 =	srdreg.scid  }
0x2: {  	s1 =	sshll.u32 s0, $0x4  }
0x3: {  	s0 =	stileid.u32;
	s1 =	sand.u32 $0x10, s1  }
0x4: {  	s8 =	sor.u32 s0, s1  }
0x5: {  	s4 =	rddreg [dreg:$0x0];
	s10 =	simm.s32 $0x2;
	s1 =	sshll.u32 s8, $0x5  }
0x6: {  	s14 =	simm.s32 $0x0;
	s13 =	simm.s32 $0x0;
	s2 =	sand.u32 $0x380, s1  }
0x7: {  	s12 =	simm.s32 $0x0;
	s3 =	sadd.s32 $0x600, s4;
	s5 =	ssub.s32 $0x400, s2  }
0x8: {  	s4 =	sadd.s32 $0x32CE00, s4;
	s9 =	sshll.u32 s0, $0x7;
	s6 =	sand.u32 $0x380, s5  }
0x9: {  	s1 =	rddreg [dreg:$0x1];
	p0 =	sne.s32 s6, $0x0;
	s6 =	simm.s32 $0x1  }
.Ltmp0:
0xa: {  	s7 =	sshrl.u32 s5, $0xA;
	s6 =	simm.s32 @!p0 $0x0;
	(pc) =	sbr.rel .LBB1_1-.Ltmp0, $4  }
0xb: {  	_ =	strace $0x80000047;
	s5 =	simm.s32 $0x1;
	s6 =	sadd.s32 s6, s7  }
0xc: {  	s8 =	sshll.u32 s8, $0x8;
	[sflag:s5] =	ssyncpa.u1 $0x0;
	s6 =	smul.u32 $0x33, s6  }
0xd: {  	[sflag:s10] =	ssyncpa.u1 $0x0;
	p0 =	por $0x0, $0x0;
	s7 =	sand.u32 $0x180, s9  }
0xe: {  	s10 =	simm.s32 $0x33000;
	s11 =	smov.u32 s7;
	s9 =	sadd.s32 $0x1, s6  }
.LBB1_4:
0xf: {  	s14 =	sshrl.u32 s14, $0x3  }
0x10: {  	s20 =	sshll.u32 s13, $0x3;
	s14 =	smul.u32 $0x33000, s14  }
0x11: {  	v5 =	vld [tilespmem:s18+$0xFFFFFFD0];
	[tilespmem:s17+$0x2040 ss:$0x81] =	vst.msk $0xffff, v4;
	s20 =	sand.u32 $0xFFFFFC00, s20  }
0x12: {  	v58 =	vld [tilespmem:s18+$0xFFFFFFE0];
	[tilespmem:s17+$0x2850 ss:$0x81] =	vst.msk $0xffff, v3;
	s30 =	sand.u32 $0x7F, s13;
	s14 =	sadd.s32 s20, s14  }
0x13: {  	s19 =	sshra.s32 s19, $0x2;
	v59 =	vld [tilespmem:s18+$0xFFFFFFF0];
	[tilespmem:s17+$0x3060 ss:$0x81] =	vst.msk $0xffff, v2;
	s13 =	sor.u32 s30, s14  }
0x14: {  	v60 =	vld [tilespmem:s18+$0x0];
	[tilespmem:s17+$0x0 ss:$0x81] =	vst.msk $0xffff, v0;
	s16 =	sadd.s32 s19, s16;
	s31 =	smulhi.u32 $0xA0A0A0A1, s13  }
0x15: {  	v61 =	vld [tilespmem:s18+$0x10];
	[tilespmem:s16+$0x3870 ss:$0x81] =	vst.msk $0xffff, v1  }
0x16: {  	v62 =	vld [tilespmem:s18+$0x20];
	s14 =	smulhi.u32 $0xA0A0A0A1, s14;
	[tilespmem:s16+$0x810 ss:$0x81] =	vst.msk $0xffff, v5;
	s17 =	sshrl.u32 s31, $0xE  }
0x17: {  	v63 =	vld [tilespmem:s18+$0xFFFFFFC0];
	[tilespmem:s16+$0x1020 ss:$0x81] =	vst.msk $0xffff, v58;
	s17 =	smul.u32 $0x6600, s17  }
0x18: {  	[tilespmem:s16+$0x1830 ss:$0x81] =	vst.msk $0xffff, v59;
	s14 =	sshrl.u32 s14, $0xE  }
0x19: {  	[tilespmem:s16+$0x2040 ss:$0x81] =	vst.msk $0xffff, v60;
	s14 =	sand.u32 $0x3FF, s14;
	s13 =	ssub.s32 s13, s17  }
0x1a: {  	[tilespmem:s16+$0x2850 ss:$0x81] =	vst.msk $0xffff, v61;
	s14 =	smul.u32 $0xCC0, s14;
	s17 =	sshrl.u32 s13, $0x3;
	s13 =	sand.u32 $0x7, s13  }
0x1b: {  	[tilespmem:s16+$0x3060 ss:$0x81] =	vst.msk $0xffff, v62;
	s17 =	sadd.s32 s4, s17;
	s13 =	sshll.u32 s13, $0x12  }
0x1c: {  	[tilespmem:s16+$0x0 ss:$0x81] =	vst.msk $0xffff, v63;
	s14 =	sadd.s32 s14, s17;
	s13 =	sor.u32 $0x400, s13  }
0x1d: {  	[hbm4b:s14+s13] =	stream.strided.scatter [tilespmem:s15], [sflag:$0x2], $0x4000, s10, s13, $0x20;
	[tilespmem:$0x10100] =	vst v63  }
.LBB1_5:
0x1e: {  	s15 =	sadd.s32 $0x200, s11  }
0x1f: {  	p2 =	sgt.s32 s15, $0x658F  }
0x20: {  	s15 =	smov.u32 @p2 s7;
	p2 =	sne.s32 s12, s9  }
.Ltmp1:
0x21: {  	p1 =	slt.u32 s12, $0x2;
	(pc) =	sbr.rel @!p2 .LBB1_6-.Ltmp1, $4  }
0x22: {  	s14 =	simm.s32 @!p1 $0x2  }
0x23: {  	s16 =	sadd.s32 $0x1, s12;
	s13 =	smov.u32 s11;
	_ =	swait.ge @!p1 [sflag:s14], $0x4000  }
0x24: {  	p0 =	por !p0, !p0;
	s12 =	smov.u32 s16;
	[sflag:s14] =	ssyncset.done @!p1 $0x0  }
0x25: {  	s11 =	smov.u32 s15;
	[sflag:s14] =	ssyncadd.s32 @!p1 $0xFFFFC000;
	s14 =	smov.u32 s2  }
.LBB1_1:
0x26: {  	p1 =	sge.u32 s12, s6  }
0x27: {  	s15 =	sshll.u32 @!p1 s11, $0xA  }
0x28: {  	s15 =	sand.u32 @!p1 $0xFFFFE000, s15  }
0x29: {  	s15 =	sor.u32 @!p1 s8, s15  }
0x2a: {  	s17 =	smov.u32 s11;
	p2 =	sgt.s32 @!p1 s11, $0x6510;
	s15 =	sshrl.u32 @!p1 s15, $0xA  }
0x2b: {  	s18 =	sshra.s32 @!p1 s11, $0x1F;
	p2 =	por !p2, p1;
	s16 =	smulhi.u32 @!p1 $0x285471, s15  }
0x2c: {  	s31 =	sadd.s32 $0xFFFFFFFF, s12;
	s18 =	sand.u32 @!p1 s18, s11;
	s17 =	simm.s32 @p2 $0x6510  }
0x2d: {  	s19 =	sxor.u32 @!p1 $0xFFFFFFFF, s12;
	s17 =	ssub.s32 @!p1 s17, s18;
	s16 =	sshrl.u32 @!p1 s16, $0x4  }
0x2e: {  	s18 =	sshll.u32 @!p1 s19, $0xE;
	s17 =	sadd.s32 @!p1 $0xFFFF9AF0, s17;
	s16 =	smul.u32 @!p1 $0x6590, s16  }
0x2f: {  	s19 =	simm.s32 @!p1 $0x2000;
	s18 =	sand.u32 @!p1 $0x4000, s18;
	p2 =	sgt.s32 @!p1 s17, $0x7F  }
0x30: {  	s15 =	ssub.s32 @!p1 s15, s16;
	s16 =	sshll.u32 @!p1 s17, $0x7;
	s17 =	sshll.u32 @!p1 s11, $0x4  }
0x31: {  	p2 =	por !p2, p1;
	s16 =	ssub.s32 @!p1 $0x4000, s16;
	s17 =	sand.u32 @!p1 $0x70, s17  }
0x32: {  	s15 =	sshll.u32 @!p1 s15, $0x7;
	s16 =	sand.u32 @!p1 $0x3FFFFF80, s16;
	s17 =	sadd.s32 @!p1 s3, s17  }
0x33: {  	s16 =	simm.s32 @!p2 $0x0;
	s15 =	sadd.s32 @!p1 s15, s17;
	s17 =	simm.s32 @!p1 $0x400  }
0x34: {  	[tilespmem:s18], [sflag:$0x1] =	stream.strided.gather @!p1 [hbm4b:s15+s17], s16, s19, s17, $0x38;
	[tilespmem:$0x10100] =	vst v63  }
0x35: {  	p1 =	sge.u32 s31, s6  }
.Ltmp2:
0x36: {  	_ = 	snop;
	(pc) =	sbr.rel @p1 .LBB1_5-.Ltmp2, $1  }
0x37: {  	_ =	sdelay $0x3  }
0x38: {  	p1 =	sgt.s32 s13, $0x6510;
	s15 =	smov.u32 s13;
	s16 =	sshra.s32 s13, $0x1F  }
0x39: {  	s15 =	simm.s32 @!p1 $0x6510;
	s16 =	sand.u32 s16, s13  }
0x3a: {  	s15 =	ssub.s32 s15, s16  }
0x3b: {  	s15 =	sadd.s32 $0xFFFF9AF0, s15  }
0x3c: {  	s29 =	sshll.u32 s15, $0x7  }
0x3d: {  	s16 =	ssub.s32 $0x4000, s29  }
0x3e: {  	p1 =	sgt.s32 s15, $0x7F;
	s15 =	sand.u32 $0x3FFFFF80, s16  }
0x3f: {  	s16 =	simm.s32 $0x1;
	s15 =	simm.s32 @p1 $0x0  }
0x40: {  	s16 =	simm.s32 @!p0 $0x0;
	_ =	swait.ge [sflag:s5], s15  }
0x41: {  	s17 =	sshll.u32 s16, $0xE;
	s15 =	ssub.s32 $0x0, s15;
	[sflag:s5] =	ssyncset.done $0x0  }
0x42: {  	s18 =	sor.u32 $0x40, s17;
	[sflag:s5] =	ssyncadd.s32 s15  }
0x43: {  	s30 =	smul.u32 $0x10200, s16;
	v0 =	vld [tilespmem:s18+$0x30]  }
0x44: {  	v1 =	vld [tilespmem:s18+$0xFFFFFFD0]  }
0x45: {  	s15 =	sshrl.u32 s30, $0x2;
	v5 =	vld [tilespmem:s18+$0xFFFFFFE0]  }
0x46: {  	s16 =	sor.u32 $0x8000, s15;
	v6 =	vld [tilespmem:s18+$0xFFFFFFF0]  }
0x47: {  	s31 =	sand.u32 $0x1, s12;
	v4 =	vld [tilespmem:s18+$0x0];
	s17 =	sadd.s32 $0x0, s16  }
0x48: {  	s15 =	smul.u32 $0x10200, s31;
	v3 =	vld [tilespmem:s18+$0x10];
	[tilespmem:s17+$0x3870 ss:$0x81] =	vst.msk $0xffff, v0  }
0x49: {  	v2 =	vld [tilespmem:s18+$0x20];
	[tilespmem:s17+$0x810 ss:$0x81] =	vst.msk $0xffff, v1  }
0x4a: {  	s15 =	sshrl.u32 s15, $0x2;
	v0 =	vld [tilespmem:s18+$0xFFFFFFC0];
	[tilespmem:s17+$0x1020 ss:$0x81] =	vst.msk $0xffff, v5;
	s18 =	sadd.s32 $0x80, s18  }
0x4b: {  	s19 =	simm.s32 $0x4;
	s20 =	simm.s32 $0x8;
	s15 =	sor.u32 $0x8000, s15;
	[tilespmem:s17+$0x1830 ss:$0x81] =	vst.msk $0xffff, v6;
	v1 =	vld [tilespmem:s18+$0x30]  }
.LBB1_3:
0x4c: {  	p1 =	sne.s32 s20, $0x1FC;
	v5 =	vld [tilespmem:s18+$0xFFFFFFD0];
	[tilespmem:s17+$0x2040 ss:$0x81] =	vst.msk $0xffff, v4  }
0x4d: {  	v6 =	vld [tilespmem:s18+$0xFFFFFFE0];
	[tilespmem:s17+$0x2850 ss:$0x81] =	vst.msk $0xffff, v3  }
0x4e: {  	s21 =	sshra.s32 s19, $0x2;
	s19 =	smov.u32 s20;
	v7 =	vld [tilespmem:s18+$0xFFFFFFF0];
	[tilespmem:s17+$0x3060 ss:$0x81] =	vst.msk $0xffff, v2  }
.Ltmp3:
0x4f: {  	v4 =	vld [tilespmem:s18+$0x0];
	[tilespmem:s17+$0x0 ss:$0x81] =	vst.msk $0xffff, v0;
	s17 =	sadd.s32 s21, s16;
	(pc) =	sbr.rel @p1 .LBB1_3-.Ltmp3, $4  }
0x50: {  	v3 =	vld [tilespmem:s18+$0x10];
	[tilespmem:s17+$0x3870 ss:$0x81] =	vst.msk $0xffff, v1  }
0x51: {  	[tilespmem:s17+$0x810 ss:$0x81] =	vst.msk $0xffff, v5;
	v2 =	vld [tilespmem:s18+$0x20]  }
0x52: {  	v0 =	vld [tilespmem:s18+$0xFFFFFFC0];
	[tilespmem:s17+$0x1020 ss:$0x81] =	vst.msk $0xffff, v6;
	s18 =	sadd.s32 $0x80, s18  }
0x53: {  	s20 =	sadd.s32 $0x4, s20;
	v1 =	vld [tilespmem:s18+$0x30];
	[tilespmem:s17+$0x1830 ss:$0x81] =	vst.msk $0xffff, v7  }
.Ltmp4:
0x54: {  	_ = 	snop;
	(pc) =	sbr.rel .LBB1_4-.Ltmp4, $1  }
0x55: {  	_ =	sdelay $0x3  }
.LBB1_6:
0x56: {  	_ =	sfence.sel $0x180000  }
0x57: {  	s2 =	simm.s32 $0x1;
	[bflag:$0x0] =	sbarrier.arrive $0xFFFF  }
0x58: {  	s31 =	simm.s32 $0x2;
	[sflag:s2] =	ssyncpa.u1 $0x1  }
0x59: {  	[sflag:s31] =	ssyncpa.u1 $0x1  }
0x5a: {  	p0 =	sne.s32 s0, $0x0;
	_ =	strace $0x90000047  }
0x5b: {  	s0 =	sadd.s32 @!p0 $0x100000, s1;
	[bflag:$0x2] =	sbarrier.arrive $0xFFFF  }
0x5c: {  	[sflag:s0] =	ssyncadd.tile.s32 @!p0 $0x1;
	_ =	shalt  }
.Lfunc_end1:
_tile_overlayer_lowered:
.L_overlay_start_2:
0x5d: {  	(tag) =	ssettag $0x2  }
0x5e: {  	s0 =	rddreg [dreg:$0x0];
	s2 =	stileid.u32  }
0x5f: {  	s1 =	rddreg [dreg:$0x1];
	p0 =	sne.s32 s2, $0x0  }
0x60: {  	s3 =	rddreg [dreg:$0x2];
	[bflag:$0x3] =	sbarrier.arrive $0xFFFF;
	s2 =	simm.s32 @!p0 $0x1C01  }
0x61: {  	[timem:s3], [sflag:s2] =	dma.local @!p0 [hbm:s0], s1  }
0x62: {  	s0 =	simm.s32 @!p0 $0x1  }
0x63: {  	_ =	swait.ge @!p0 [sflag:s0], s1  }
0x64: {  	s1 =	ssub.s32 @!p0 $0x0, s1;
	[sflag:s0] =	ssyncset.done @!p0 $0x0  }
0x65: {  	[sflag:s0] =	ssyncadd.s32 @!p0 s1  }
0x66: {  	[bflag:$0x3] =	sbarrier.arrive $0xFFFF  }
0x67: {  	_ =	shalt  }

</sc_bundles>
